<compile_context>
chip_gen: v7x
topology: tpu7x:2x2x1
jax: 0.10.2.dev20260603
libtpu: 0.0.44.dev20260713+nightly
codegen_flags: <defaults>
</compile_context>

<pallas_src>
import functools
import math

import jax
import jax.numpy as jnp
from jax.experimental import pallas as pl
from jax.experimental.pallas import tpu as pltpu
from jax.experimental.pallas import tpu_sc as plsc

_TEMP = 0.05
_INV_TEMP = 1.0 / _TEMP
_A = _INV_TEMP * math.log2(math.e)
_B = 256
_D = 256
_N = 100000
_ROWS = 5000
_STEPS = _N // _ROWS


def _sc_gather_kernel(frgb_hbm, fnir_hbm, idx_hbm, grgb_hbm, gnir_hbm,
                      idx_v, rows_a, rows_b, sem_a, sem_b):
    nc = plsc.get_sparse_core_info().num_cores
    wid = jax.lax.axis_index("s") * nc + jax.lax.axis_index("c")
    base = wid * 8
    pltpu.sync_copy(idx_hbm.at[pl.ds(base, 8)], idx_v)
    cpa = pltpu.async_copy(frgb_hbm.at[idx_v], rows_a, sem_a)
    cpb = pltpu.async_copy(fnir_hbm.at[idx_v], rows_b, sem_b)
    cpa.wait()
    pltpu.sync_copy(rows_a, grgb_hbm.at[pl.ds(base, 8)])
    cpb.wait()
    pltpu.sync_copy(rows_b, gnir_hbm.at[pl.ds(base, 8)])


def _fused_loss_kernel(ir_ref, inr_ref, frgb_ref, fnir_ref, grgb_ref,
                       gnir_ref, out_rgb_ref, out_nir_ref,
                       irn, inrn, irs, inrs, se_rgb, se_nir):
    i = pl.program_id(0)

    @pl.when(i == 0)
    def _init():
        for src, dst, dsts in ((ir_ref, irn, irs), (inr_ref, inrn, inrs)):
            x = src[...]
            norm = jnp.sqrt(jnp.sum(x * x, axis=1, keepdims=True))
            xn = x / jnp.maximum(norm, 1e-12)
            dst[...] = xn
            dsts[...] = xn * _A
        zero = jnp.zeros((1, _B), jnp.float32)
        se_rgb[...] = zero
        se_nir[...] = zero

    for q, f_ref, se in ((irs, frgb_ref, se_rgb), (inrs, fnir_ref, se_nir)):
        d = jax.lax.dot_general(
            f_ref[...], q[...], (((1,), (1,)), ((), ())),
            precision=jax.lax.Precision.DEFAULT,
            preferred_element_type=jnp.float32)
        e = jnp.exp2(d.astype(jnp.bfloat16)).astype(jnp.float32)
        se[...] += jnp.sum(e, axis=0, keepdims=True)

    @pl.when(i == _STEPS - 1)
    def _finish():
        for q, g_ref, se, out in ((irn, grgb_ref, se_rgb, out_rgb_ref),
                                  (inrn, gnir_ref, se_nir, out_nir_ref)):
            tl_total = _INV_TEMP * jnp.sum(q[...] * g_ref[...])
            lse_total = jnp.sum(jnp.log(se[...]))
            out[...] = ((lse_total - tl_total) / _B).reshape(1, 1)


@functools.partial(jax.jit, static_argnames=())
def kernel(inputs_rgb, inputs_nir, targets, features_rgb, features_nir):
    g_rgb, g_nir = pl.kernel(
        _sc_gather_kernel,
        out_type=[jax.ShapeDtypeStruct((_B, _D), jnp.float32),
                  jax.ShapeDtypeStruct((_B, _D), jnp.float32)],
        mesh=plsc.VectorSubcoreMesh(core_axis_name="c", subcore_axis_name="s"),
        scratch_types=[
            pltpu.VMEM((8,), jnp.int32),
            pltpu.VMEM((8, _D), jnp.float32),
            pltpu.VMEM((8, _D), jnp.float32),
            pltpu.SemaphoreType.DMA,
            pltpu.SemaphoreType.DMA,
        ],
    )(features_rgb, features_nir, targets)

    full = lambda shape: pl.BlockSpec(shape, lambda i: (0, 0))
    out_rgb, out_nir = pl.pallas_call(
        _fused_loss_kernel,
        grid=(_STEPS,),
        in_specs=[
            full((_B, _D)),
            full((_B, _D)),
            pl.BlockSpec((_ROWS, _D), lambda i: (i, 0)),
            pl.BlockSpec((_ROWS, _D), lambda i: (i, 0)),
            full((_B, _D)),
            full((_B, _D)),
        ],
        out_specs=[full((1, 1)), full((1, 1))],
        out_shape=[jax.ShapeDtypeStruct((1, 1), jnp.float32),
                   jax.ShapeDtypeStruct((1, 1), jnp.float32)],
        scratch_shapes=[
            pltpu.VMEM((_B, _D), jnp.float32),
            pltpu.VMEM((_B, _D), jnp.float32),
            pltpu.VMEM((_B, _D), jnp.float32),
            pltpu.VMEM((_B, _D), jnp.float32),
            pltpu.VMEM((1, _B), jnp.float32),
            pltpu.VMEM((1, _B), jnp.float32),
        ],
        compiler_params=pltpu.CompilerParams(
            dimension_semantics=("arbitrary",)),
    )(inputs_rgb, inputs_nir, features_rgb, features_nir, g_rgb, g_nir)
    return (out_rgb.reshape(()), out_nir.reshape(()))

# --- scband reference (transcript-rebuilt; emitter-appended) ---
"""Pipeline reference for scband-cluster-memory-300-65807488909748 (READ-ONLY COPY).

The authoritative reference and input builder live on the scoring server;
editing this copy changes nothing except your own understanding.
"""

import jax, jax.numpy as jnp
import numpy as np

TEMP = 0.05
B, D, N = 256, 256, 100000


def _normalize(x):
    n = jnp.linalg.norm(x, axis=1, keepdims=True)
    return x / jnp.maximum(n, 1e-12)


def _cross_entropy(logits, targets):
    lse = jax.scipy.special.logsumexp(logits, axis=1)
    tgt = jnp.take_along_axis(logits, targets[:, None], axis=1)[:, 0]
    return jnp.mean(lse - tgt)


def setup_inputs(seed: int = 0) -> dict:
    key = jax.random.key(seed)
    k1, k2, k3, k4, k5 = jax.random.split(key, 5)
    inputs_rgb = jax.random.normal(k1, (B, D), dtype=jnp.float32)
    inputs_nir = jax.random.normal(k2, (B, D), dtype=jnp.float32)
    targets = jax.random.randint(k3, (B,), 0, N, dtype=jnp.int32)
    # buffers initialized as L2-normalized cluster centroids (realistic; torch code
    # registers zeros but they are filled with centroids before training)
    features_rgb = _normalize(jax.random.normal(k4, (N, D), dtype=jnp.float32))
    features_nir = _normalize(jax.random.normal(k5, (N, D), dtype=jnp.float32))
    return {"inputs_rgb": inputs_rgb, "inputs_nir": inputs_nir, "targets": targets,
            "features_rgb": features_rgb, "features_nir": features_nir}


def reference(inputs_rgb, inputs_nir, targets, features_rgb, features_nir):
    ir = _normalize(inputs_rgb)
    inr = _normalize(inputs_nir)
    outputs_rgb = (ir @ features_rgb.T) / TEMP
    outputs_nir = (inr @ features_nir.T) / TEMP
    loss_rgb = _cross_entropy(outputs_rgb, targets)
    loss_nir = _cross_entropy(outputs_nir, targets)
    return (loss_rgb, loss_nir)

if __name__ == "__main__":
    import jax
    _d = setup_inputs()
    print(jax.jit(kernel)(*tuple(_d.values())))

</pallas_src>

<mosaic_0001>
#map = affine_map<(d0, d1) -> (0, 0)>
#map1 = affine_map<(d0, d1) -> (0)>
module attributes {stable_mosaic.version = 14 : i64} {
  func.func @_sc_gather_kernel(%arg0: i32, %arg1: i32, %arg2: memref<100000x256xf32, #tpu.memory_space<hbm>>, %arg3: memref<100000x256xf32, #tpu.memory_space<hbm>>, %arg4: memref<256xi32, #tpu.memory_space<hbm>>, %arg5: memref<256x256xf32, #tpu.memory_space<hbm>>, %arg6: memref<256x256xf32, #tpu.memory_space<hbm>>, %arg7: memref<8xi32, #tpu.memory_space<vmem>>, %arg8: memref<8x256xf32, #tpu.memory_space<vmem>>, %arg9: memref<8x256xf32, #tpu.memory_space<vmem>>, %arg10: memref<!tpu.dma_semaphore, #tpu.memory_space<semaphore_mem>>, %arg11: memref<!tpu.dma_semaphore, #tpu.memory_space<semaphore_mem>>) attributes {dimension_semantics = [#tpu.dimension_semantics<core_parallel>, #tpu.dimension_semantics<subcore_parallel>], iteration_bounds = array<i64: 2, 16>, scalar_prefetch = 0 : i64, scratch_operands = 5 : i64, tpu.core_type = #tpu.core_type<sc_vector_subcore>, window_params = [{transform_indices = #map}, {transform_indices = #map}, {transform_indices = #map1}, {transform_indices = #map}, {transform_indices = #map}]} {
    %mul3A = arith.constant 2 : i32
    %mul3A_0 = arith.muli %arg1, %mul3A : i32
    %add3A = arith.addi %mul3A_0, %arg0 : i32
    %mul3A_1 = arith.constant 8 : i32
    %mul3A_2 = arith.muli %add3A, %mul3A_1 : i32
    "tpu.region"() ({
      %run_scoped3A = tpu.sem_alloc : memref<!tpu.dma_semaphore, #tpu.memory_space<semaphore_mem>>
      %dma_start3A_13 = tpu.memref_slice %arg4[%mul3A_2] : memref<256xi32, #tpu.memory_space<hbm>> -> memref<8xi32, #tpu.memory_space<hbm>>
      %dma_start3A_14 = tpu.memref_slice %arg4[%mul3A_2] : memref<256xi32, #tpu.memory_space<hbm>> -> memref<8xi32, #tpu.memory_space<hbm>>
      tpu.enqueue_dma source(%dma_start3A_14 : memref<8xi32, #tpu.memory_space<hbm>>) target(%arg7 : memref<8xi32, #tpu.memory_space<vmem>>) target_semaphore(%run_scoped3A : memref<!tpu.dma_semaphore, #tpu.memory_space<semaphore_mem>>)
      %dma_wait3A_15 = tpu.memref_slice %arg4[%mul3A_2] : memref<256xi32, #tpu.memory_space<hbm>> -> memref<8xi32, #tpu.memory_space<hbm>>
      %dma_wait3A_16 = tpu.memref_slice %arg4[%mul3A_2] : memref<256xi32, #tpu.memory_space<hbm>> -> memref<8xi32, #tpu.memory_space<hbm>>
      tpu.wait_dma2 semaphore(%run_scoped3A : memref<!tpu.dma_semaphore, #tpu.memory_space<semaphore_mem>>) src(%dma_wait3A_16 : memref<8xi32, #tpu.memory_space<hbm>>) dst(%arg7 : memref<8xi32, #tpu.memory_space<vmem>>)
      tpu.yield
    }) : () -> ()
    %dma_start3A = arith.constant 0 : i32
    %dma_start3A_3 = arith.constant 0 : i32
    %dma_start3A_4 = tpu.memref_slice %arg2[%dma_start3A, %dma_start3A_3] : memref<100000x256xf32, #tpu.memory_space<hbm>> -> memref<100000x256xf32, #tpu.memory_space<hbm>>
    tpu.enqueue_indirect_dma source(%dma_start3A_4 : memref<100000x256xf32, #tpu.memory_space<hbm>>) target(%arg8 : memref<8x256xf32, #tpu.memory_space<vmem>>) offsets(%arg7 : memref<8xi32, #tpu.memory_space<vmem>>) semaphore(%arg10 : memref<!tpu.dma_semaphore, #tpu.memory_space<semaphore_mem>>)
    %dma_start3A_5 = arith.constant 0 : i32
    %dma_start3A_6 = arith.constant 0 : i32
    %dma_start3A_7 = tpu.memref_slice %arg3[%dma_start3A_5, %dma_start3A_6] : memref<100000x256xf32, #tpu.memory_space<hbm>> -> memref<100000x256xf32, #tpu.memory_space<hbm>>
    tpu.enqueue_indirect_dma source(%dma_start3A_7 : memref<100000x256xf32, #tpu.memory_space<hbm>>) target(%arg9 : memref<8x256xf32, #tpu.memory_space<vmem>>) offsets(%arg7 : memref<8xi32, #tpu.memory_space<vmem>>) semaphore(%arg11 : memref<!tpu.dma_semaphore, #tpu.memory_space<semaphore_mem>>)
    %dma_wait3A = arith.constant 0 : i32
    %dma_wait3A_8 = arith.constant 0 : i32
    %dma_wait3A_9 = tpu.memref_slice %arg2[%dma_wait3A, %dma_wait3A_8] : memref<100000x256xf32, #tpu.memory_space<hbm>> -> memref<100000x256xf32, #tpu.memory_space<hbm>>
    tpu.wait_indirect_dma semaphore(%arg10 : memref<!tpu.dma_semaphore, #tpu.memory_space<semaphore_mem>>) src(%dma_wait3A_9 : memref<100000x256xf32, #tpu.memory_space<hbm>>) dst(%arg8 : memref<8x256xf32, #tpu.memory_space<vmem>>)
    "tpu.region"() ({
      %run_scoped3A = tpu.sem_alloc : memref<!tpu.dma_semaphore, #tpu.memory_space<semaphore_mem>>
      %dma_start3A_13 = arith.constant 0 : i32
      %dma_start3A_14 = tpu.memref_slice %arg5[%mul3A_2, %dma_start3A_13] : memref<256x256xf32, #tpu.memory_space<hbm>> -> memref<8x256xf32, #tpu.memory_space<hbm>>
      %dma_start3A_15 = arith.constant 0 : i32
      %dma_start3A_16 = tpu.memref_slice %arg5[%mul3A_2, %dma_start3A_15] : memref<256x256xf32, #tpu.memory_space<hbm>> -> memref<8x256xf32, #tpu.memory_space<hbm>>
      tpu.enqueue_dma source(%arg8 : memref<8x256xf32, #tpu.memory_space<vmem>>) target(%dma_start3A_16 : memref<8x256xf32, #tpu.memory_space<hbm>>) target_semaphore(%run_scoped3A : memref<!tpu.dma_semaphore, #tpu.memory_space<semaphore_mem>>)
      %dma_wait3A_17 = arith.constant 0 : i32
      %dma_wait3A_18 = tpu.memref_slice %arg5[%mul3A_2, %dma_wait3A_17] : memref<256x256xf32, #tpu.memory_space<hbm>> -> memref<8x256xf32, #tpu.memory_space<hbm>>
      %dma_wait3A_19 = arith.constant 0 : i32
      %dma_wait3A_20 = tpu.memref_slice %arg5[%mul3A_2, %dma_wait3A_19] : memref<256x256xf32, #tpu.memory_space<hbm>> -> memref<8x256xf32, #tpu.memory_space<hbm>>
      tpu.wait_dma2 semaphore(%run_scoped3A : memref<!tpu.dma_semaphore, #tpu.memory_space<semaphore_mem>>) src(%arg8 : memref<8x256xf32, #tpu.memory_space<vmem>>) dst(%dma_wait3A_20 : memref<8x256xf32, #tpu.memory_space<hbm>>)
      tpu.yield
    }) : () -> ()
    %dma_wait3A_10 = arith.constant 0 : i32
    %dma_wait3A_11 = arith.constant 0 : i32
    %dma_wait3A_12 = tpu.memref_slice %arg3[%dma_wait3A_10, %dma_wait3A_11] : memref<100000x256xf32, #tpu.memory_space<hbm>> -> memref<100000x256xf32, #tpu.memory_space<hbm>>
    tpu.wait_indirect_dma semaphore(%arg11 : memref<!tpu.dma_semaphore, #tpu.memory_space<semaphore_mem>>) src(%dma_wait3A_12 : memref<100000x256xf32, #tpu.memory_space<hbm>>) dst(%arg9 : memref<8x256xf32, #tpu.memory_space<vmem>>)
    "tpu.region"() ({
      %run_scoped3A = tpu.sem_alloc : memref<!tpu.dma_semaphore, #tpu.memory_space<semaphore_mem>>
      %dma_start3A_13 = arith.constant 0 : i32
      %dma_start3A_14 = tpu.memref_slice %arg6[%mul3A_2, %dma_start3A_13] : memref<256x256xf32, #tpu.memory_space<hbm>> -> memref<8x256xf32, #tpu.memory_space<hbm>>
      %dma_start3A_15 = arith.constant 0 : i32
      %dma_start3A_16 = tpu.memref_slice %arg6[%mul3A_2, %dma_start3A_15] : memref<256x256xf32, #tpu.memory_space<hbm>> -> memref<8x256xf32, #tpu.memory_space<hbm>>
      tpu.enqueue_dma source(%arg9 : memref<8x256xf32, #tpu.memory_space<vmem>>) target(%dma_start3A_16 : memref<8x256xf32, #tpu.memory_space<hbm>>) target_semaphore(%run_scoped3A : memref<!tpu.dma_semaphore, #tpu.memory_space<semaphore_mem>>)
      %dma_wait3A_17 = arith.constant 0 : i32
      %dma_wait3A_18 = tpu.memref_slice %arg6[%mul3A_2, %dma_wait3A_17] : memref<256x256xf32, #tpu.memory_space<hbm>> -> memref<8x256xf32, #tpu.memory_space<hbm>>
      %dma_wait3A_19 = arith.constant 0 : i32
      %dma_wait3A_20 = tpu.memref_slice %arg6[%mul3A_2, %dma_wait3A_19] : memref<256x256xf32, #tpu.memory_space<hbm>> -> memref<8x256xf32, #tpu.memory_space<hbm>>
      tpu.wait_dma2 semaphore(%run_scoped3A : memref<!tpu.dma_semaphore, #tpu.memory_space<semaphore_mem>>) src(%arg9 : memref<8x256xf32, #tpu.memory_space<vmem>>) dst(%dma_wait3A_20 : memref<8x256xf32, #tpu.memory_space<hbm>>)
      tpu.yield
    }) : () -> ()
    return
  }
}

module attributes {stable_mosaic.version = 14 : i64} {
  func.func @_fused_loss_kernel(%arg0: i32, %arg1: memref<256x256xf32, #tpu.memory_space<vmem>>, %arg2: memref<256x256xf32, #tpu.memory_space<vmem>>, %arg3: memref<5000x256xf32, #tpu.memory_space<vmem>>, %arg4: memref<5000x256xf32, #tpu.memory_space<vmem>>, %arg5: memref<256x256xf32, #tpu.memory_space<vmem>>, %arg6: memref<256x256xf32, #tpu.memory_space<vmem>>, %arg7: memref<1x1xf32, #tpu.memory_space<vmem>>, %arg8: memref<1x1xf32, #tpu.memory_space<vmem>>, %arg9: memref<256x256xf32, #tpu.memory_space<vmem>>, %arg10: memref<256x256xf32, #tpu.memory_space<vmem>>, %arg11: memref<256x256xf32, #tpu.memory_space<vmem>>, %arg12: memref<256x256xf32, #tpu.memory_space<vmem>>, %arg13: memref<1x256xf32, #tpu.memory_space<vmem>>, %arg14: memref<1x256xf32, #tpu.memory_space<vmem>>) attributes {dimension_semantics = [#tpu.dimension_semantics<arbitrary>], iteration_bounds = array<i64: 20>, scalar_prefetch = 0 : i64, scratch_operands = 6 : i64, tpu.core_type = #tpu.core_type<tc>, window_params = [{pipeline_mode = #tpu.pipeline_mode<synchronous>, transform_indices = @transform_0, window_bounds = array<i64: 256, 256>}, {pipeline_mode = #tpu.pipeline_mode<synchronous>, transform_indices = @transform_1, window_bounds = array<i64: 256, 256>}, {transform_indices = @transform_2, window_bounds = array<i64: 5000, 256>}, {transform_indices = @transform_3, window_bounds = array<i64: 5000, 256>}, {pipeline_mode = #tpu.pipeline_mode<synchronous>, transform_indices = @transform_4, window_bounds = array<i64: 256, 256>}, {pipeline_mode = #tpu.pipeline_mode<synchronous>, transform_indices = @transform_5, window_bounds = array<i64: 256, 256>}, {pipeline_mode = #tpu.pipeline_mode<synchronous>, transform_indices = @transform_6, window_bounds = array<i64: 1, 1>}, {pipeline_mode = #tpu.pipeline_mode<synchronous>, transform_indices = @transform_7, window_bounds = array<i64: 1, 1>}]} {
    %eq3A = arith.constant 0 : i32
    %eq3A_0 = arith.cmpi eq, %arg0, %eq3A : i32
    %convert_element_type3A = arith.extui %eq3A_0 : i1 to i32
    %cond3A = arith.constant 0 : i32
    %cond3A_1 = arith.cmpi ne, %convert_element_type3A, %cond3A : i32
    scf.if %cond3A_1 {
      %get3A_42 = arith.constant 0 : index
      %get3A_43 = arith.constant 0 : index
      %get3A_44 = vector.load %arg1[%get3A_42, %get3A_43] : memref<256x256xf32, #tpu.memory_space<vmem>>, vector<256x256xf32>
      %mul3A = arith.mulf %get3A_44, %get3A_44 : vector<256x256xf32>
      %reduce_sum3A_45 = arith.constant dense<0.000000e+00> : vector<256xf32>
      %reduce_sum3A_46 = vector.multi_reduction <add>, %mul3A, %reduce_sum3A_45 [1] : vector<256x256xf32> to vector<256xf32>
      %broadcast_in_dim3A_47 = vector.shape_cast %reduce_sum3A_46 : vector<256xf32> to vector<256x1xf32>
      %sqrt3A = math.sqrt %broadcast_in_dim3A_47 : vector<256x1xf32>
      %max3A = arith.constant 9.99999996E-13 : f32
      %max3A_48 = vector.broadcast %max3A : f32 to vector<256x1xf32>
      %max3A_49 = arith.maximumf %sqrt3A, %max3A_48 : vector<256x1xf32>
      %div3A = vector.broadcast %max3A_49 : vector<256x1xf32> to vector<256x256xf32>
      %div3A_50 = arith.divf %get3A_44, %div3A : vector<256x256xf32>
      %swap3A_51 = arith.constant 0 : index
      %swap3A_52 = arith.constant 0 : index
      %swap3A_53 = vector.load %arg9[%swap3A_51, %swap3A_52] : memref<256x256xf32, #tpu.memory_space<vmem>>, vector<256x256xf32>
      tpu.vector_store %arg9[%swap3A_51, %swap3A_52], %div3A_50 {strides = array<i32>} : memref<256x256xf32, #tpu.memory_space<vmem>>, vector<256x256xf32>,
      %mul3A_54 = arith.constant 2.885390e+01 : f32
      %mul3A_55 = vector.broadcast %mul3A_54 : f32 to vector<256x256xf32>
      %mul3A_56 = arith.mulf %div3A_50, %mul3A_55 : vector<256x256xf32>
      %swap3A_57 = arith.constant 0 : index
      %swap3A_58 = arith.constant 0 : index
      %swap3A_59 = vector.load %arg11[%swap3A_57, %swap3A_58] : memref<256x256xf32, #tpu.memory_space<vmem>>, vector<256x256xf32>
      tpu.vector_store %arg11[%swap3A_57, %swap3A_58], %mul3A_56 {strides = array<i32>} : memref<256x256xf32, #tpu.memory_space<vmem>>, vector<256x256xf32>,
      %get3A_60 = arith.constant 0 : index
      %get3A_61 = arith.constant 0 : index
      %get3A_62 = vector.load %arg2[%get3A_60, %get3A_61] : memref<256x256xf32, #tpu.memory_space<vmem>>, vector<256x256xf32>
      %mul3A_63 = arith.mulf %get3A_62, %get3A_62 : vector<256x256xf32>
      %reduce_sum3A_64 = arith.constant dense<0.000000e+00> : vector<256xf32>
      %reduce_sum3A_65 = vector.multi_reduction <add>, %mul3A_63, %reduce_sum3A_64 [1] : vector<256x256xf32> to vector<256xf32>
      %broadcast_in_dim3A_66 = vector.shape_cast %reduce_sum3A_65 : vector<256xf32> to vector<256x1xf32>
      %sqrt3A_67 = math.sqrt %broadcast_in_dim3A_66 : vector<256x1xf32>
      %max3A_68 = arith.constant 9.99999996E-13 : f32
      %max3A_69 = vector.broadcast %max3A_68 : f32 to vector<256x1xf32>
      %max3A_70 = arith.maximumf %sqrt3A_67, %max3A_69 : vector<256x1xf32>
      %div3A_71 = vector.broadcast %max3A_70 : vector<256x1xf32> to vector<256x256xf32>
      %div3A_72 = arith.divf %get3A_62, %div3A_71 : vector<256x256xf32>
      %swap3A_73 = arith.constant 0 : index
      %swap3A_74 = arith.constant 0 : index
      %swap3A_75 = vector.load %arg10[%swap3A_73, %swap3A_74] : memref<256x256xf32, #tpu.memory_space<vmem>>, vector<256x256xf32>
      tpu.vector_store %arg10[%swap3A_73, %swap3A_74], %div3A_72 {strides = array<i32>} : memref<256x256xf32, #tpu.memory_space<vmem>>, vector<256x256xf32>,
      %mul3A_76 = arith.constant 2.885390e+01 : f32
      %mul3A_77 = vector.broadcast %mul3A_76 : f32 to vector<256x256xf32>
      %mul3A_78 = arith.mulf %div3A_72, %mul3A_77 : vector<256x256xf32>
      %swap3A_79 = arith.constant 0 : index
      %swap3A_80 = arith.constant 0 : index
      %swap3A_81 = vector.load %arg12[%swap3A_79, %swap3A_80] : memref<256x256xf32, #tpu.memory_space<vmem>>, vector<256x256xf32>
      tpu.vector_store %arg12[%swap3A_79, %swap3A_80], %mul3A_78 {strides = array<i32>} : memref<256x256xf32, #tpu.memory_space<vmem>>, vector<256x256xf32>,
      %broadcast_in_dim3A_82 = arith.constant 0.000000e+00 : f32
      %broadcast_in_dim3A_83 = vector.broadcast %broadcast_in_dim3A_82 : f32 to vector<1x256xf32>
      %swap3A_84 = arith.constant 0 : index
      %swap3A_85 = arith.constant 0 : index
      %swap3A_86 = vector.load %arg13[%swap3A_84, %swap3A_85] : memref<1x256xf32, #tpu.memory_space<vmem>>, vector<1x256xf32>
      tpu.vector_store %arg13[%swap3A_84, %swap3A_85], %broadcast_in_dim3A_83 {strides = array<i32>} : memref<1x256xf32, #tpu.memory_space<vmem>>, vector<1x256xf32>,
      %swap3A_87 = arith.constant 0 : index
      %swap3A_88 = arith.constant 0 : index
      %swap3A_89 = vector.load %arg14[%swap3A_87, %swap3A_88] : memref<1x256xf32, #tpu.memory_space<vmem>>, vector<1x256xf32>
      tpu.vector_store %arg14[%swap3A_87, %swap3A_88], %broadcast_in_dim3A_83 {strides = array<i32>} : memref<1x256xf32, #tpu.memory_space<vmem>>, vector<1x256xf32>,
    } else {
    }
    %get3A = arith.constant 0 : index
    %get3A_2 = arith.constant 0 : index
    %get3A_3 = vector.load %arg3[%get3A, %get3A_2] : memref<5000x256xf32, #tpu.memory_space<vmem>>, vector<5000x256xf32>
    %get3A_4 = arith.constant 0 : index
    %get3A_5 = arith.constant 0 : index
    %get3A_6 = vector.load %arg11[%get3A_4, %get3A_5] : memref<256x256xf32, #tpu.memory_space<vmem>>, vector<256x256xf32>
    %dot_general3A = arith.constant dense<0.000000e+00> : vector<5000x256xf32>
    %dot_general3A_7 = tpu.matmul %get3A_3, %get3A_6, %dot_general3A {dimension_numbers = #tpu.dot_dimension_numbers<[1], [1], [0], [0], [0, 0, 1, 0], [], []>, transpose_lhs_hint = false} : vector<5000x256xf32>, vector<256x256xf32>, vector<5000x256xf32> -> vector<5000x256xf32>
    %convert_element_type3A_8 = arith.truncf %dot_general3A_7 : vector<5000x256xf32> to vector<5000x256xbf16>
    %exp23A = math.exp2 %convert_element_type3A_8 : vector<5000x256xbf16>
    %convert_element_type3A_9 = arith.extf %exp23A : vector<5000x256xbf16> to vector<5000x256xf32>
    %get3A_10 = arith.constant 0 : index
    %get3A_11 = arith.constant 0 : index
    %get3A_12 = vector.load %arg13[%get3A_10, %get3A_11] : memref<1x256xf32, #tpu.memory_space<vmem>>, vector<1x256xf32>
    %reduce_sum3A = arith.constant dense<0.000000e+00> : vector<256xf32>
    %reduce_sum3A_13 = vector.multi_reduction <add>, %convert_element_type3A_9, %reduce_sum3A [0] : vector<5000x256xf32> to vector<256xf32>
    %broadcast_in_dim3A = vector.shape_cast %reduce_sum3A_13 : vector<256xf32> to vector<1x256xf32>
    %add3A = arith.addf %get3A_12, %broadcast_in_dim3A : vector<1x256xf32>
    %swap3A = arith.constant 0 : index
    %swap3A_14 = arith.constant 0 : index
    %swap3A_15 = vector.load %arg13[%swap3A, %swap3A_14] : memref<1x256xf32, #tpu.memory_space<vmem>>, vector<1x256xf32>
    tpu.vector_store %arg13[%swap3A, %swap3A_14], %add3A {strides = array<i32>} : memref<1x256xf32, #tpu.memory_space<vmem>>, vector<1x256xf32>,
    %get3A_16 = arith.constant 0 : index
    %get3A_17 = arith.constant 0 : index
    %get3A_18 = vector.load %arg4[%get3A_16, %get3A_17] : memref<5000x256xf32, #tpu.memory_space<vmem>>, vector<5000x256xf32>
    %get3A_19 = arith.constant 0 : index
    %get3A_20 = arith.constant 0 : index
    %get3A_21 = vector.load %arg12[%get3A_19, %get3A_20] : memref<256x256xf32, #tpu.memory_space<vmem>>, vector<256x256xf32>
    %dot_general3A_22 = arith.constant dense<0.000000e+00> : vector<5000x256xf32>
    %dot_general3A_23 = tpu.matmul %get3A_18, %get3A_21, %dot_general3A_22 {dimension_numbers = #tpu.dot_dimension_numbers<[1], [1], [0], [0], [0, 0, 1, 0], [], []>, transpose_lhs_hint = false} : vector<5000x256xf32>, vector<256x256xf32>, vector<5000x256xf32> -> vector<5000x256xf32>
    %convert_element_type3A_24 = arith.truncf %dot_general3A_23 : vector<5000x256xf32> to vector<5000x256xbf16>
    %exp23A_25 = math.exp2 %convert_element_type3A_24 : vector<5000x256xbf16>
    %convert_element_type3A_26 = arith.extf %exp23A_25 : vector<5000x256xbf16> to vector<5000x256xf32>
    %get3A_27 = arith.constant 0 : index
    %get3A_28 = arith.constant 0 : index
    %get3A_29 = vector.load %arg14[%get3A_27, %get3A_28] : memref<1x256xf32, #tpu.memory_space<vmem>>, vector<1x256xf32>
    %reduce_sum3A_30 = arith.constant dense<0.000000e+00> : vector<256xf32>
    %reduce_sum3A_31 = vector.multi_reduction <add>, %convert_element_type3A_26, %reduce_sum3A_30 [0] : vector<5000x256xf32> to vector<256xf32>
    %broadcast_in_dim3A_32 = vector.shape_cast %reduce_sum3A_31 : vector<256xf32> to vector<1x256xf32>
    %add3A_33 = arith.addf %get3A_29, %broadcast_in_dim3A_32 : vector<1x256xf32>
    %swap3A_34 = arith.constant 0 : index
    %swap3A_35 = arith.constant 0 : index
    %swap3A_36 = vector.load %arg14[%swap3A_34, %swap3A_35] : memref<1x256xf32, #tpu.memory_space<vmem>>, vector<1x256xf32>
    tpu.vector_store %arg14[%swap3A_34, %swap3A_35], %add3A_33 {strides = array<i32>} : memref<1x256xf32, #tpu.memory_space<vmem>>, vector<1x256xf32>,
    %eq3A_37 = arith.constant 19 : i32
    %eq3A_38 = arith.cmpi eq, %arg0, %eq3A_37 : i32
    %convert_element_type3A_39 = arith.extui %eq3A_38 : i1 to i32
    %cond3A_40 = arith.constant 0 : i32
    %cond3A_41 = arith.cmpi ne, %convert_element_type3A_39, %cond3A_40 : i32
    scf.if %cond3A_41 {
      %get3A_42 = arith.constant 0 : index
      %get3A_43 = arith.constant 0 : index
      %get3A_44 = vector.load %arg9[%get3A_42, %get3A_43] : memref<256x256xf32, #tpu.memory_space<vmem>>, vector<256x256xf32>
      %get3A_45 = arith.constant 0 : index
      %get3A_46 = arith.constant 0 : index
      %get3A_47 = vector.load %arg5[%get3A_45, %get3A_46] : memref<256x256xf32, #tpu.memory_space<vmem>>, vector<256x256xf32>
      %mul3A = arith.mulf %get3A_44, %get3A_47 : vector<256x256xf32>
      %reduce_sum3A_48 = vector.shape_cast %mul3A : vector<256x256xf32> to vector<1x256x256xf32>
      %reduce_sum3A_49 = arith.constant dense<0.000000e+00> : vector<1xf32>
      %reduce_sum3A_50 = vector.multi_reduction <add>, %reduce_sum3A_48, %reduce_sum3A_49 [1, 2] : vector<1x256x256xf32> to vector<1xf32>
      %reduce_sum3A_51 = vector.shape_cast %reduce_sum3A_50 : vector<1xf32> to vector<1x1x1xf32>
      %reduce_sum3A_52 = vector.extract %reduce_sum3A_51[0, 0, 0] : f32 from vector<1x1x1xf32>
      %mul3A_53 = arith.constant 2.000000e+01 : f32
      %mul3A_54 = arith.mulf %mul3A_53, %reduce_sum3A_52 : f32
      %get3A_55 = arith.constant 0 : index
      %get3A_56 = arith.constant 0 : index
      %get3A_57 = vector.load %arg13[%get3A_55, %get3A_56] : memref<1x256xf32, #tpu.memory_space<vmem>>, vector<1x256xf32>
      %log3A = math.log %get3A_57 : vector<1x256xf32>
      %reduce_sum3A_58 = vector.shape_cast %log3A : vector<1x256xf32> to vector<1x1x256xf32>
      %reduce_sum3A_59 = arith.constant dense<0.000000e+00> : vector<1xf32>
      %reduce_sum3A_60 = vector.multi_reduction <add>, %reduce_sum3A_58, %reduce_sum3A_59 [1, 2] : vector<1x1x256xf32> to vector<1xf32>
      %reduce_sum3A_61 = vector.shape_cast %reduce_sum3A_60 : vector<1xf32> to vector<1x1x1xf32>
      %reduce_sum3A_62 = vector.extract %reduce_sum3A_61[0, 0, 0] : f32 from vector<1x1x1xf32>
      %sub3A = arith.subf %reduce_sum3A_62, %mul3A_54 : f32
      %div3A = arith.constant 2.560000e+02 : f32
      %div3A_63 = arith.divf %sub3A, %div3A : f32
      %reshape3A = vector.broadcast %div3A_63 : f32 to vector<1x1xf32>
      %swap3A_64 = arith.constant 0 : index
      %swap3A_65 = arith.constant 0 : index
      %swap3A_66 = vector.load %arg7[%swap3A_64, %swap3A_65] : memref<1x1xf32, #tpu.memory_space<vmem>>, vector<1x1xf32>
      tpu.vector_store %arg7[%swap3A_64, %swap3A_65], %reshape3A {strides = array<i32>} : memref<1x1xf32, #tpu.memory_space<vmem>>, vector<1x1xf32>,
      %get3A_67 = arith.constant 0 : index
      %get3A_68 = arith.constant 0 : index
      %get3A_69 = vector.load %arg10[%get3A_67, %get3A_68] : memref<256x256xf32, #tpu.memory_space<vmem>>, vector<256x256xf32>
      %get3A_70 = arith.constant 0 : index
      %get3A_71 = arith.constant 0 : index
      %get3A_72 = vector.load %arg6[%get3A_70, %get3A_71] : memref<256x256xf32, #tpu.memory_space<vmem>>, vector<256x256xf32>
      %mul3A_73 = arith.mulf %get3A_69, %get3A_72 : vector<256x256xf32>
      %reduce_sum3A_74 = vector.shape_cast %mul3A_73 : vector<256x256xf32> to vector<1x256x256xf32>
      %reduce_sum3A_75 = arith.constant dense<0.000000e+00> : vector<1xf32>
      %reduce_sum3A_76 = vector.multi_reduction <add>, %reduce_sum3A_74, %reduce_sum3A_75 [1, 2] : vector<1x256x256xf32> to vector<1xf32>
      %reduce_sum3A_77 = vector.shape_cast %reduce_sum3A_76 : vector<1xf32> to vector<1x1x1xf32>
      %reduce_sum3A_78 = vector.extract %reduce_sum3A_77[0, 0, 0] : f32 from vector<1x1x1xf32>
      %mul3A_79 = arith.constant 2.000000e+01 : f32
      %mul3A_80 = arith.mulf %mul3A_79, %reduce_sum3A_78 : f32
      %get3A_81 = arith.constant 0 : index
      %get3A_82 = arith.constant 0 : index
      %get3A_83 = vector.load %arg14[%get3A_81, %get3A_82] : memref<1x256xf32, #tpu.memory_space<vmem>>, vector<1x256xf32>
      %log3A_84 = math.log %get3A_83 : vector<1x256xf32>
      %reduce_sum3A_85 = vector.shape_cast %log3A_84 : vector<1x256xf32> to vector<1x1x256xf32>
      %reduce_sum3A_86 = arith.constant dense<0.000000e+00> : vector<1xf32>
      %reduce_sum3A_87 = vector.multi_reduction <add>, %reduce_sum3A_85, %reduce_sum3A_86 [1, 2] : vector<1x1x256xf32> to vector<1xf32>
      %reduce_sum3A_88 = vector.shape_cast %reduce_sum3A_87 : vector<1xf32> to vector<1x1x1xf32>
      %reduce_sum3A_89 = vector.extract %reduce_sum3A_88[0, 0, 0] : f32 from vector<1x1x1xf32>
      %sub3A_90 = arith.subf %reduce_sum3A_89, %mul3A_80 : f32
      %div3A_91 = arith.constant 2.560000e+02 : f32
      %div3A_92 = arith.divf %sub3A_90, %div3A_91 : f32
      %reshape3A_93 = vector.broadcast %div3A_92 : f32 to vector<1x1xf32>
      %swap3A_94 = arith.constant 0 : index
      %swap3A_95 = arith.constant 0 : index
      %swap3A_96 = vector.load %arg8[%swap3A_94, %swap3A_95] : memref<1x1xf32, #tpu.memory_space<vmem>>, vector<1x1xf32>
      tpu.vector_store %arg8[%swap3A_94, %swap3A_95], %reshape3A_93 {strides = array<i32>} : memref<1x1xf32, #tpu.memory_space<vmem>>, vector<1x1xf32>,
    } else {
    }
    return
  }
  func.func @transform_0(%arg0: i32) -> (i32, i32) {
    %c0_i32 = arith.constant 0 : i32
    %c0_i32_0 = arith.constant 0 : i32
    %c0_i32_1 = arith.constant 0 : i32
    return %c0_i32, %c0_i32_0 : i32, i32
  }
  func.func @transform_1(%arg0: i32) -> (i32, i32) {
    %c0_i32 = arith.constant 0 : i32
    %c0_i32_0 = arith.constant 0 : i32
    %c0_i32_1 = arith.constant 0 : i32
    return %c0_i32, %c0_i32_0 : i32, i32
  }
  func.func @transform_2(%arg0: i32) -> (i32, i32) {
    %c0_i32 = arith.constant 0 : i32
    %c0_i32_0 = arith.constant 0 : i32
    return %arg0, %c0_i32 : i32, i32
  }
  func.func @transform_3(%arg0: i32) -> (i32, i32) {
    %c0_i32 = arith.constant 0 : i32
    %c0_i32_0 = arith.constant 0 : i32
    return %arg0, %c0_i32 : i32, i32
  }
  func.func @transform_4(%arg0: i32) -> (i32, i32) {
    %c0_i32 = arith.constant 0 : i32
    %c0_i32_0 = arith.constant 0 : i32
    %c0_i32_1 = arith.constant 0 : i32
    return %c0_i32, %c0_i32_0 : i32, i32
  }
  func.func @transform_5(%arg0: i32) -> (i32, i32) {
    %c0_i32 = arith.constant 0 : i32
    %c0_i32_0 = arith.constant 0 : i32
    %c0_i32_1 = arith.constant 0 : i32
    return %c0_i32, %c0_i32_0 : i32, i32
  }
  func.func @transform_6(%arg0: i32) -> (i32, i32) {
    %c0_i32 = arith.constant 0 : i32
    %c0_i32_0 = arith.constant 0 : i32
    %c0_i32_1 = arith.constant 0 : i32
    return %c0_i32, %c0_i32_0 : i32, i32
  }
  func.func @transform_7(%arg0: i32) -> (i32, i32) {
    %c0_i32 = arith.constant 0 : i32
    %c0_i32_0 = arith.constant 0 : i32
    %c0_i32_1 = arith.constant 0 : i32
    return %c0_i32, %c0_i32_0 : i32, i32
  }
}

</mosaic_0001>

<sc_bundles>
// kernel: kernel.4.cloned.1.call-start
scs
__scs_entry_jumppad:
0x0: {  	(pc) =	sbr.rel $0x88, $3  }
0x1: {  	(tag) =	ssettag $0x0;
	lr =	simm.s32 $0x1  }
0x2: {  	[smem:$0x3F9C] =	sst lr;
	_ =	strace $0xD0000000  }
0x3: {  	_ = 	snop  }
0x4: {  	_ = 	snop  }
0x5: {  	_ = 	snop  }
0x6: {  	_ = 	snop  }
0x7: {  	_ = 	snop  }
__scs_overlays_trampoline_lowered:
0x8: {  	[smem:$0x3FAB] =	sst s0  }
0x9: {  	[smem:$0x3FAC] =	sst s1  }
0xa: {  	[smem:$0x3FAD] =	sst s2  }
0xb: {  	[smem:$0x3FAE] =	sst s3  }
0xc: {  	[smem:$0x3FAF] =	sst s4  }
0xd: {  	[smem:$0x3FB0] =	sst s5  }
0xe: {  	[smem:$0x3FB1] =	sst s6  }
0xf: {  	[smem:$0x3FB2] =	sst s7  }
0x10: {  	[smem:$0x3FB3] =	sst s8  }
0x11: {  	[smem:$0x3FB4] =	sst s9;
	s0 =	simm.s32 @!p0 $0x0  }
0x12: {  	s1 =	sld [smem:$0x3F9A];
	s0 =	simm.s32 @p0 $0x1  }
0x13: {  	[smem:$0x3FB5] =	sst s0;
	s0 =	simm.s32 @!p1 $0x0  }
0x14: {  	s2 =	sld [smem:$0x3F99];
	s0 =	simm.s32 @p1 $0x1  }
0x15: {  	[smem:$0x3FB6] =	sst s0;
	s0 =	simm.s32 @!p2 $0x0  }
0x16: {  	s3 =	sld [smem:$0x3FDB];
	s0 =	simm.s32 @p2 $0x1  }
0x17: {  	s4 =	simm.s32 $0x1BF5;
	[smem:$0x3FB8] =	sst s0  }
0x18: {  	s0 =	sld [smem:$0x3F9B];
	_ =	swait.ge [sflag:s4], $0x0  }
0x19: {  	s7 =	sld [smem:$0x3F9C]  }
0x1a: {  	s8 =	sadd.s32 $0xFFFFE003, lr  }
0x1b: {  	s9 =	sadd.s32 $0xFFFFFEF7, lr;
	s5 =	simm.s32 $0xFFFFFFFF;
	p2 =	slt.u32 s8, $0xFFFFF086  }
0x1c: {  	p1 =	slt.u32 s9, $0xF7A;
	s5 =	simm.s32 @!p2 $0x0  }
0x1d: {  	s5 =	simm.s32 @p1 $0x1;
	p0 =	seq.s32 s7, s2  }
0x1e: {  	s7 =	smul.u32 @!p0 $0xF7A, s2;
	p2 =	seq.s32 @!p0 s5, $0x0  }
0x1f: {  	s9 =	smul.u32 $0xF7A, s1;
	s8 =	simm.s32 @!p0 $0x1BF5;
	p2 =	por !p2, p0  }
0x20: {  	[sflag:s8] =	ssyncset.s32 @!p0 $0xFFFFF086;
	s6 =	sadd.s32 @!p0 s3, s7;
	s7 =	simm.s32 @!p0 $0x108  }
0x21: {  	s3 =	sadd.s32 s3, s9;
	s6 =	sadd.s32 @!p0 $0x88, s6;
	s7 =	simm.s32 @p2 $0x1082  }
0x22: {  	[simem:s7], [sflag:s8] =	dma.local @!p0 [hbm:s6], $0xF7A  }
0x23: {  	s9 =	sor.u32 $0xD0000000, s2;
	s6 =	simm.s32 $0x108;
	_ =	swait.ge @!p0 [sflag:s8], $0x0  }
0x24: {  	s3 =	sadd.s32 $0x88, s3;
	s6 =	simm.s32 @!p1 $0x1082;
	[sflag:s4] =	ssyncset.s32 $0xFFFFF086  }
0x25: {  	[simem:s6], [sflag:s4] =	dma.local [hbm:s3], $0xF7A  }
0x26: {  	[smem:$0x3F9C] =	sst s1;
	(tag) =	ssettag s2;
	_ =	strace s9  }
0x27: {  	s1 =	sld [smem:$0x3FAC]  }
0x28: {  	s2 =	sld [smem:$0x3FAD]  }
0x29: {  	s4 =	sld [smem:$0x3FAF]  }
0x2a: {  	p0 =	seq.s32 s5, $0x0;
	s5 =	sld [smem:$0x3FB0]  }
0x2b: {  	s6 =	sld [smem:$0x3FB1]  }
0x2c: {  	s7 =	sld [smem:$0x3FB2]  }
0x2d: {  	s3 =	simm.s32 $0x108;
	s8 =	sld [smem:$0x3FB3]  }
0x2e: {  	s3 =	simm.s32 @!p0 $0x1082;
	s9 =	sld [smem:$0x3FB4]  }
0x2f: {  	lr =	sadd.s32 s0, s3;
	s0 =	sld [smem:$0x3FAB]  }
0x30: {  	s3 =	sld [smem:$0x3FAE]  }
0x31: {  	[smem:$0x3FB7] =	sst s10  }
0x32: {  	s10 =	sld [smem:$0x3FB5];
	_ =	sdelay $0x3  }
0x33: {  	p0 =	seq.s32 s10, $0x1;
	s10 =	sld [smem:$0x3FB7];
	_ =	sdelay $0x3  }
0x34: {  	[smem:$0x3FB7] =	sst s10  }
0x35: {  	s10 =	sld [smem:$0x3FB6];
	_ =	sdelay $0x3  }
0x36: {  	p1 =	seq.s32 s10, $0x1;
	s10 =	sld [smem:$0x3FB7];
	_ =	sdelay $0x3  }
0x37: {  	[smem:$0x3FB7] =	sst s10  }
0x38: {  	s10 =	sld [smem:$0x3FB8]  }
0x39: {  	_ = 	snop;
	(pc) =	sbr.ind lr, $3  }
0x3a: {  	_ = 	snop  }
0x3b: {  	_ = 	snop  }
0x3c: {  	p2 =	seq.s32 s10, $0x1;
	s10 =	sld [smem:$0x3FB7]  }
0x3d: {  	_ =	shalt  }
0x3e: {  	_ =	shalt  }
0x3f: {  	_ =	shalt  }
0x40: {  	_ =	shalt  }
0x41: {  	_ =	shalt  }
0x42: {  	_ =	shalt  }
0x43: {  	_ =	shalt  }
0x44: {  	_ =	shalt  }
0x45: {  	_ =	shalt  }
0x46: {  	_ =	shalt  }
0x47: {  	_ =	shalt  }
0x48: {  	_ =	shalt  }
0x49: {  	_ =	shalt  }
0x4a: {  	_ =	shalt  }
0x4b: {  	_ =	shalt  }
0x4c: {  	_ =	shalt  }
0x4d: {  	_ =	shalt  }
0x4e: {  	_ =	shalt  }
0x4f: {  	_ =	shalt  }
0x50: {  	_ =	shalt  }
0x51: {  	_ =	shalt  }
0x52: {  	_ =	shalt  }
0x53: {  	_ =	shalt  }
0x54: {  	_ =	shalt  }
0x55: {  	_ =	shalt  }
0x56: {  	_ =	shalt  }
0x57: {  	_ =	shalt  }
0x58: {  	_ =	shalt  }
0x59: {  	_ =	shalt  }
0x5a: {  	_ =	shalt  }
0x5b: {  	_ =	shalt  }
0x5c: {  	_ =	shalt  }
0x5d: {  	_ =	shalt  }
0x5e: {  	_ =	shalt  }
0x5f: {  	_ =	shalt  }
0x60: {  	_ =	shalt  }
0x61: {  	_ =	shalt  }
0x62: {  	_ =	shalt  }
0x63: {  	_ =	shalt  }
0x64: {  	_ =	shalt  }
0x65: {  	_ =	shalt  }
0x66: {  	_ =	shalt  }
0x67: {  	_ =	shalt  }
0x68: {  	_ =	shalt  }
0x69: {  	_ =	shalt  }
0x6a: {  	_ =	shalt  }
0x6b: {  	_ =	shalt  }
0x6c: {  	_ =	shalt  }
0x6d: {  	_ =	shalt  }
0x6e: {  	_ =	shalt  }
0x6f: {  	_ =	shalt  }
0x70: {  	_ =	shalt  }
0x71: {  	_ =	shalt  }
0x72: {  	_ =	shalt  }
0x73: {  	_ =	shalt  }
0x74: {  	_ =	shalt  }
0x75: {  	_ =	shalt  }
0x76: {  	_ =	shalt  }
0x77: {  	_ =	shalt  }
0x78: {  	_ =	shalt  }
0x79: {  	_ =	shalt  }
0x7a: {  	_ =	shalt  }
0x7b: {  	_ =	shalt  }
0x7c: {  	_ =	shalt  }
0x7d: {  	_ =	shalt  }
0x7e: {  	_ =	shalt  }
0x7f: {  	_ =	shalt  }
0x80: {  	_ =	shalt  }
0x81: {  	_ =	shalt  }
0x82: {  	_ =	shalt  }
0x83: {  	_ =	shalt  }
0x84: {  	_ =	shalt  }
0x85: {  	_ =	shalt  }
0x86: {  	_ =	shalt  }
0x87: {  	_ =	shalt  }
.Lfunc_end0:
.L_simem_size_0:
called_computation_lowered:
.L_overlay_start_0:
0x88: {  	s2 =	sld [smem:$0x3FD9]  }
0x89: {  	s3 =	sld [smem:$0x3FFE];
	_ =	sdelay $0x1  }
0x8a: {  	s1 =	srdreg.scid  }
0x8b: {  	s0 =	sand.u32 $0x1, s1  }
0x8c: {  	s17 =	sshll.u32 s0, $0xA;
	s2 =	sadd.s32 s3, s2  }
0x8d: {  	s2 =	sadd.s32 s2, s17  }
0x8e: {  	[smem:$0x3FC3] =	sst s2  }
0x8f: {  	_ = 	snop  }
0x90: {  	s2 =	sld [smem:$0x3FC7]  }
0x91: {  	s18 =	sld [smem:$0x3FC6]  }
0x92: {  	s4 =	sld [smem:$0x3FC5];
	(tm) =	ssettm $0x1  }
0x93: {  	s5 =	sld [smem:$0x3FFB];
	_ =	sdelay $0x3  }
0x94: {  	_ =	strace s5  }
0x95: {  	s5 =	sld [smem:$0x3FFC];
	_ =	sdelay $0x3  }
0x96: {  	_ =	strace s5  }
0x97: {  	s5 =	sld [smem:$0x3FFD];
	_ =	sdelay $0x3  }
0x98: {  	_ =	strace s5  }
0x99: {  	_ =	strace $0x8FFFFFFF  }
0x9a: {  	s19 =	sld [smem:$0x3FDB];
	_ =	sdelay $0x1  }
0x9b: {  	s6 =	simm.s32 $_scs_section_size  }
0x9c: {  	s7 =	simm.s32 $_size__tile_overlayer_lowered;
	s8 =	simm.s32 $_tile_overlayer_lowered  }
0x9d: {  	s22 =	simm.s32 $0x1BFF;
	s21 =	sshll.u32 s8, $0x1;
	s5 =	sadd.s32 s6, s19  }
0x9e: {  	s9 =	simm.s32 $0x0;
	s20 =	sshll.u32 s7, $0x1;
	s7 =	sadd.s32 s21, s5  }
0x9f: {  	[timem:s9], [sflag:s22] =	dma.local [hbm:s7], s20  }
0xa0: {  	_ =	swait.ge [sflag:s22], s20  }
0xa1: {  	s6 =	ssub.s32 $0x0, s20;
	[sflag:s22] =	ssyncset.done $0x0  }
0xa2: {  	[sflag:s22] =	ssyncadd.s32 s6;
	_ =	sdelay $0x1  }
0xa3: {  	s23 =	simm.s32 $0x1B8B  }
0xa4: {  	_ =	swait.ge [sflag:s23], $0x1  }
0xa5: {  	[sflag:s23] =	ssyncset.done $0x0  }
0xa6: {  	s25 =	simm.s32 $0x1B8E;
	s24 =	sld [smem:$0x3FFE];
	[sflag:s23] =	ssyncadd.s32 $0xFFFFFFFF  }
0xa7: {  	s26 =	simm.s32 $execute0_lowered;
	[smem:$0x3FD2] =	sst s25  }
0xa8: {  	s7 =	sshll.u32 s26, $0x1;
	_ =	strace $0x80000046;
	[dreg:$0x1] =	wrdreg $0xFFFFFFFF  }
0xa9: {  	s28 =	simm.s32 $_size_execute0_lowered;
	s5 =	sadd.s32 s5, s7;
	[dreg:$0x0] =	wrdreg $0x0  }
0xaa: {  	s7 =	sshll.u32 s28, $0x1;
	[dreg:$0x2] =	wrdreg s5  }
0xab: {  	[dreg:$0x3] =	wrdreg s7  }
0xac: {  	[dreg:$0x4] =	wrdreg $0xC0  }
0xad: {  	_ =	task [dreg:s9], $0x5FFFF  }
0xae: {  	[dreg:$0x1] =	wrdreg $0xFFFFFFFF  }
0xaf: {  	[dreg:$0x0] =	wrdreg $0x60  }
0xb0: {  	[dreg:$0x2] =	wrdreg s18  }
0xb1: {  	[dreg:$0x3] =	wrdreg s4  }
0xb2: {  	[dreg:$0x4] =	wrdreg s2  }
0xb3: {  	[dreg:$0x5] =	wrdreg s24  }
0xb4: {  	[dreg:$0x6] =	wrdreg $0x9  }
0xb5: {  	_ =	task.clear_ibuf [dreg:s9], $0x7FFFF;
	_ =	strace $0x90000046  }
0xb6: {  	s29 =	simm.s32 $0x9;
	_ =	strace $0x80000048  }
0xb7: {  	_ =	swait.ge [sflag:s29], $0x1  }
0xb8: {  	[sflag:s29] =	ssyncadd.s32 $0xFFFFFFFF  }
0xb9: {  	_ =	strace $0x90000048  }
0xba: {  	_ =	sfence  }
0xbb: {  	s30 =	sld [smem:$0x0];
	_ =	sdelay $0x2  }
0xbc: {  	s31 =	sshll.u32 s1, $0xD;
	s1 =	sshrl.u32 s1, $0x2  }
0xbd: {  	s3 =	sand.u32 $0x4000, s31;
	s1 =	sadd.s32 s1, s30  }
0xbe: {  	s0 =	sor.u32 s3, s0;
	s1 =	sshll.u32 s1, $0x11  }
0xbf: {  	s0 =	sor.u32 s1, s0  }
0xc0: {  	s0 =	sadd.s32 $0x8F2B, s0  }
0xc1: {  	[sflag:s0] =	ssyncadd.remote.s32 $0x1  }
0xc2: {  	_ =	sfence.sel $0xFFFF  }
0xc3: {  	[dreg:$0x0] =	wrdreg $0xFFFFFFFF;
	(pc) =	sbr.abs _section_cstart, $3  }
0xc4: {  	[dreg:$0x1] =	wrdreg $0xFFFFFFFF  }
0xc5: {  	_ =	task.clear_ibuf [dreg:s9], $0x2FFFF;
	_ =	strace $0x9FFFFFFF  }
0xc6: {  	(tm) =	ssettm $0x7FFFFFFF  }
0xc7: {  	_ =	shalt  }
tec
execute0_lowered:
.L_overlay_start_1:
0x0: {  	(tag) =	ssettag $0x1  }
0x1: {  	s1 =	rddreg [dreg:$0x0]  }
0x2: {  	s2 =	rddreg [dreg:$0x1]  }
0x3: {  	s5 =	rddreg [dreg:$0x2]  }
0x4: {  	s6 =	rddreg [dreg:$0x3];
	s4 =	srdreg.scid  }
0x5: {  	s0 =	rddreg [dreg:$0x4];
	s3 =	stileid.u32;
	s11 =	simm.s32 $0x880  }
0x6: {  	s12 =	simm.s32 $0x1;
	s13 =	simm.s32 $0x2;
	s7 =	sand.u32 $0x1, s4  }
0x7: {  	s4 =	simm.s32 $0x0;
	s8 =	sshll.u32 s3, $0x4;
	s9 =	sshll.u32 s7, $0x3  }
0x8: {  	[smem:$0x7FF] =	sst s4;
	s7 =	ssub.s32 $0x2, s7;
	s8 =	sor.u32 s9, s8  }
0x9: {  	_ =	strace $0x80000047;
	s10 =	sshrl.u32 s7, $0x1;
	s9 =	sshll.u32 s8, $0x5  }
0xa: {  	v0 =	vlaneseq.u32;
	s10 =	ssub.s32 s7, s10;
	s31 =	sshrl.u32 s8, $0x3;
	s9 =	sadd.s32 s9, s6  }
0xb: {  	v1 =	vshrl.u32 v0, $0x3;
	s5 =	sadd.s32 s5, s31;
	s8 =	smax.u32 s10, $0x1;
	s10 =	simm.s32 $0x80  }
0xc: {  	vm0 =	vmmov $0xffff;
	v0 =	vand.u32 $0x7, v0;
	v1 =	vmul.u32 $0x8, v1;
	s6 =	sadd.s32 $0x1200, s9;
	s7 =	sadd.s32 $0x3200, s9;
	s9 =	simm.s32 $0x3  }
.LBB2_1:
0xd: {  	[tilespmem:s4], [sflag:$0x3] =	stream.linear.gather [hbm4b:s5+s4], $0x8, $0x38;
	[tilespmem:$0x1080] =	vst v63  }
0xe: {  	_ =	swait.ge [sflag:s9], $0x8  }
0xf: {  	[sflag:s9] =	ssyncset.done $0x0  }
0x10: {  	[sflag:s9] =	ssyncadd.s32 $0xFFFFFFF8  }
0x11: {  	v2 =	vld.msk [tilespmem:$0x0], $0xff;
	_ =	sdelay $0x4  }
0x12: {  	v3 =	vshll.u32 v2, $0x1  }
0x13: {  	v2 =	vand.u32 $0x7, v2;
	v3 =	vand.u32 $0xFFFFFFF0, v3  }
0x14: {  	v2 =	vor.u32 v2, v3  }
0x15: {  	v2 =	vperm.xlane v2, v0;
	_ =	sdelay $0x1  }
0x16: {  	v2 =	vadd.s32 v1, v2;
	_ =	sdelay $0x4  }
0x17: {  	[tilespmem:s10], [sflag:$0x1] =	stream.indirect_vreg.gather [hbm4b:s1+s4], $0x80, v2, vm0, $0xb8;
	[tilespmem:$0x1080] =	vst v63  }
0x18: {  	v2 =	vld.msk [tilespmem:$0x0], $0xff;
	_ =	sdelay $0x4  }
0x19: {  	v3 =	vshll.u32 v2, $0x1  }
0x1a: {  	v2 =	vand.u32 $0x7, v2;
	v3 =	vand.u32 $0xFFFFFFF0, v3  }
0x1b: {  	v2 =	vor.u32 v2, v3  }
0x1c: {  	v2 =	vperm.xlane v2, v0;
	_ =	sdelay $0x1  }
0x1d: {  	v2 =	vadd.s32 v1, v2;
	_ =	sdelay $0x4  }
0x1e: {  	[tilespmem:s11], [sflag:$0x2] =	stream.indirect_vreg.gather [hbm4b:s2+s4], $0x80, v2, vm0, $0xb8;
	[tilespmem:$0x1080] =	vst v63  }
0x1f: {  	_ =	swait.ge [sflag:s12], $0x800  }
0x20: {  	[sflag:s12] =	ssyncset.done $0x0  }
0x21: {  	[sflag:s12] =	ssyncadd.s32 $0xFFFFF800  }
0x22: {  	[hbm4b:s6+s4] =	stream.linear.scatter [tilespmem:s10], [sflag:$0x3], $0x800, $0x38;
	[tilespmem:$0x1080] =	vst v63  }
0x23: {  	_ =	swait.ge [sflag:s9], $0x800  }
0x24: {  	[sflag:s9] =	ssyncset.done $0x0  }
0x25: {  	[sflag:s9] =	ssyncadd.s32 $0xFFFFF800  }
0x26: {  	_ =	swait.ge [sflag:s13], $0x800  }
0x27: {  	p0 =	sne.s32 s8, $0x1;
	[sflag:s13] =	ssyncset.done $0x0  }
.Ltmp0:
0x28: {  	[sflag:s13] =	ssyncadd.s32 $0xFFFFF800;
	(pc) =	sbr.rel @p0 .LBB2_1-.Ltmp0, $4  }
0x29: {  	[hbm4b:s7+s4] =	stream.linear.scatter [tilespmem:s11], [sflag:$0x3], $0x800, $0x38;
	[tilespmem:$0x1080] =	vst v63  }
0x2a: {  	_ =	swait.ge [sflag:s9], $0x800  }
0x2b: {  	[sflag:s9] =	ssyncset.done $0x0  }
0x2c: {  	s8 =	sadd.s32 $0xFFFFFFFF, s8;
	[sflag:s9] =	ssyncadd.s32 $0xFFFFF800  }
0x2d: {  	_ =	sfence.sel $0x180000  }
0x2e: {  	[bflag:$0x0] =	sbarrier.arrive $0xFFFF  }
0x2f: {  	p0 =	sne.s32 s3, $0x0;
	_ =	strace $0x90000047  }
0x30: {  	s0 =	sadd.s32 @!p0 $0x100000, s0;
	[bflag:$0x2] =	sbarrier.arrive $0xFFFF  }
0x31: {  	[sflag:s0] =	ssyncadd.tile.s32 @!p0 $0x1;
	_ =	shalt  }
.Lfunc_end2:
_tile_overlayer_lowered:
.L_overlay_start_2:
0x32: {  	(tag) =	ssettag $0x2  }
0x33: {  	s0 =	rddreg [dreg:$0x0];
	s2 =	stileid.u32  }
0x34: {  	s1 =	rddreg [dreg:$0x1];
	p0 =	sne.s32 s2, $0x0  }
0x35: {  	s3 =	rddreg [dreg:$0x2];
	[bflag:$0x3] =	sbarrier.arrive $0xFFFF;
	s2 =	simm.s32 @!p0 $0x1C03  }
0x36: {  	[timem:s3], [sflag:s2] =	dma.local @!p0 [hbm:s0], s1  }
0x37: {  	s0 =	simm.s32 @!p0 $0x3  }
0x38: {  	_ =	swait.ge @!p0 [sflag:s0], s1  }
0x39: {  	s1 =	ssub.s32 @!p0 $0x0, s1;
	[sflag:s0] =	ssyncset.done @!p0 $0x0  }
0x3a: {  	[sflag:s0] =	ssyncadd.s32 @!p0 s1  }
0x3b: {  	[bflag:$0x3] =	sbarrier.arrive $0xFFFF  }
0x3c: {  	_ =	shalt  }

</sc_bundles>
